<compile_context>
chip_gen: v7x
topology: tpu7x:2x2x1
jax: 0.10.2.dev20260603
libtpu: 0.0.44.dev20260713+nightly
codegen_flags: <defaults>
</compile_context>

<pallas_src>
import jax
import jax.numpy as jnp
from jax import lax
from jax.experimental import pallas as pl
from jax.experimental.pallas import tpu as pltpu
from jax.experimental.pallas import tpu_sc as plsc

_J = 17
_HW = 25
_N = _HW * _J


def _scs_body(x_hbm, out_hbm, x_s, o_s):
    pltpu.sync_copy(x_hbm, x_s)

    def row(r, carry):
        base = r * _J
        best = x_s[base]
        idx = jnp.int32(0)
        for j in range(1, _J):
            v = x_s[base + j]
            gt = v > best
            best = jnp.where(gt, v, best)
            idx = jnp.where(gt, jnp.int32(j), idx)
        for j in range(_J):
            v = x_s[base + j]
            y = jnp.where(idx == j, jnp.float32(1.0), jnp.float32(0.0))
            o_s[base + j] = (y - v) + v
        return carry

    lax.fori_loop(0, _HW, row, jnp.int32(0))
    pltpu.sync_copy(o_s, out_hbm)


def kernel(sgt_trans_mat, use_gumbel_noise, gumbel_temp):
    mesh = plsc.ScalarSubcoreMesh(axis_name="c", num_cores=1)
    flat = pl.kernel(
        _scs_body,
        out_type=jax.ShapeDtypeStruct((_N,), jnp.float32),
        mesh=mesh,
        scratch_types=[
            pltpu.SMEM((_N,), jnp.float32),
            pltpu.SMEM((_N,), jnp.float32),
        ],
    )(sgt_trans_mat.reshape(_N))
    return flat.reshape(1, _HW, _J)

# --- scband reference (transcript-rebuilt; emitter-appended) ---
"""Pipeline reference for scband-auto-sgt-14242111554214 (READ-ONLY COPY).

The authoritative reference and input builder live on the scoring server;
editing this copy changes nothing except your own understanding.
"""

import jax, jax.numpy as jnp
import numpy as np


def setup_inputs(seed: int = 0) -> dict:
    key = jax.random.key(seed)
    # init_sgt_prior('random_prob'): softmax(rand([HW, J]), dim=-1).unsqueeze(0)
    HW, J = 25, 17
    prior = jax.random.uniform(key, (HW, J), dtype=jnp.float32)
    sgt_trans_mat = jax.nn.softmax(prior, axis=-1)[None, :, :]  # [1, 25, 17]
    return {
        "sgt_trans_mat": sgt_trans_mat,
        "use_gumbel_noise": 0,  # False -> deterministic straight-through path
        "gumbel_temp": 1,
    }


def reference(sgt_trans_mat, use_gumbel_noise, gumbel_temp):
    # Module is in training mode (torch default) with use_gumbel_noise=False:
    #   index = sgt_trans_mat.max(-1, keepdim=True)[1]
    #   y_hard = zeros_like(sgt).scatter_(-1, index, 1.0)   # hard one-hot of argmax
    #   out = y_hard - sgt.detach() + sgt                   # straight-through estimator
    index = jnp.argmax(sgt_trans_mat, axis=-1)  # [1, 25]
    y_hard = jax.nn.one_hot(index, sgt_trans_mat.shape[-1], dtype=sgt_trans_mat.dtype)  # scatter of 1.0 at argmax
    out = y_hard - jax.lax.stop_gradient(sgt_trans_mat) + sgt_trans_mat
    return out

if __name__ == "__main__":
    import jax
    _d = setup_inputs()
    print(jax.jit(kernel)(*tuple(_d.values())))

</pallas_src>

<mosaic_0001>
#map = affine_map<(d0) -> (0)>
module attributes {stable_mosaic.version = 14 : i64} {
  func.func @_scs_body(%arg0: i32, %arg1: memref<425xf32, #tpu.memory_space<hbm>>, %arg2: memref<425xf32, #tpu.memory_space<hbm>>, %arg3: memref<425xf32, #tpu.memory_space<smem>>, %arg4: memref<425xf32, #tpu.memory_space<smem>>) attributes {dimension_semantics = [#tpu.dimension_semantics<core_parallel>], iteration_bounds = array<i64: 1>, scalar_prefetch = 0 : i64, scratch_operands = 2 : i64, tpu.core_type = #tpu.core_type<sc_scalar_subcore>, window_params = [{transform_indices = #map}, {transform_indices = #map}]} {
    "tpu.region"() ({
      %run_scoped3A = tpu.sem_alloc : memref<!tpu.dma_semaphore, #tpu.memory_space<semaphore_mem>>
      tpu.enqueue_dma source(%arg1 : memref<425xf32, #tpu.memory_space<hbm>>) target(%arg3 : memref<425xf32, #tpu.memory_space<smem>>) target_semaphore(%run_scoped3A : memref<!tpu.dma_semaphore, #tpu.memory_space<semaphore_mem>>)
      tpu.wait_dma2 semaphore(%run_scoped3A : memref<!tpu.dma_semaphore, #tpu.memory_space<semaphore_mem>>) src(%arg1 : memref<425xf32, #tpu.memory_space<hbm>>) dst(%arg3 : memref<425xf32, #tpu.memory_space<smem>>)
      tpu.yield
    }) : () -> ()
    %scan3A = arith.constant 0 : i32
    %scan3A_0 = arith.constant 0 : i32
    %scan3A_1 = arith.constant 25 : i32
    %scan3A_2 = arith.addi %scan3A_0, %scan3A_1 : i32
    %scan3A_3 = arith.constant 1 : i32
    scf.for %scan3A_5 = %scan3A_0 to %scan3A_2 step %scan3A_3  : i32 {
      %mul3A = arith.constant 17 : i32
      %mul3A_6 = arith.muli %scan3A_5, %mul3A : i32
      %get3A = arith.index_cast %mul3A_6 : i32 to index
      %get3A_7 = memref.load %arg3[%get3A] : memref<425xf32, #tpu.memory_space<smem>>
      %add3A = arith.constant 1 : i32
      %add3A_8 = arith.addi %mul3A_6, %add3A : i32
      %get3A_9 = arith.index_cast %add3A_8 : i32 to index
      %get3A_10 = memref.load %arg3[%get3A_9] : memref<425xf32, #tpu.memory_space<smem>>
      %gt3A = arith.cmpf ogt, %get3A_10, %get3A_7 : f32
      %select_n3A = arith.select %gt3A, %get3A_10, %get3A_7 : f32
      %jit3A = arith.constant 1 : i32
      %jit3A_11 = arith.constant 0 : i32
      %select_n3A_12 = arith.select %gt3A, %jit3A, %jit3A_11 : i32
      %add3A_13 = arith.constant 2 : i32
      %add3A_14 = arith.addi %mul3A_6, %add3A_13 : i32
      %get3A_15 = arith.index_cast %add3A_14 : i32 to index
      %get3A_16 = memref.load %arg3[%get3A_15] : memref<425xf32, #tpu.memory_space<smem>>
      %gt3A_17 = arith.cmpf ogt, %get3A_16, %select_n3A : f32
      %select_n3A_18 = arith.select %gt3A_17, %get3A_16, %select_n3A : f32
      %jit3A_19 = arith.constant 2 : i32
      %select_n3A_20 = arith.select %gt3A_17, %jit3A_19, %select_n3A_12 : i32
      %add3A_21 = arith.constant 3 : i32
      %add3A_22 = arith.addi %mul3A_6, %add3A_21 : i32
      %get3A_23 = arith.index_cast %add3A_22 : i32 to index
      %get3A_24 = memref.load %arg3[%get3A_23] : memref<425xf32, #tpu.memory_space<smem>>
      %gt3A_25 = arith.cmpf ogt, %get3A_24, %select_n3A_18 : f32
      %select_n3A_26 = arith.select %gt3A_25, %get3A_24, %select_n3A_18 : f32
      %jit3A_27 = arith.constant 3 : i32
      %select_n3A_28 = arith.select %gt3A_25, %jit3A_27, %select_n3A_20 : i32
      %add3A_29 = arith.constant 4 : i32
      %add3A_30 = arith.addi %mul3A_6, %add3A_29 : i32
      %get3A_31 = arith.index_cast %add3A_30 : i32 to index
      %get3A_32 = memref.load %arg3[%get3A_31] : memref<425xf32, #tpu.memory_space<smem>>
      %gt3A_33 = arith.cmpf ogt, %get3A_32, %select_n3A_26 : f32
      %select_n3A_34 = arith.select %gt3A_33, %get3A_32, %select_n3A_26 : f32
      %jit3A_35 = arith.constant 4 : i32
      %select_n3A_36 = arith.select %gt3A_33, %jit3A_35, %select_n3A_28 : i32
      %add3A_37 = arith.constant 5 : i32
      %add3A_38 = arith.addi %mul3A_6, %add3A_37 : i32
      %get3A_39 = arith.index_cast %add3A_38 : i32 to index
      %get3A_40 = memref.load %arg3[%get3A_39] : memref<425xf32, #tpu.memory_space<smem>>
      %gt3A_41 = arith.cmpf ogt, %get3A_40, %select_n3A_34 : f32
      %select_n3A_42 = arith.select %gt3A_41, %get3A_40, %select_n3A_34 : f32
      %jit3A_43 = arith.constant 5 : i32
      %select_n3A_44 = arith.select %gt3A_41, %jit3A_43, %select_n3A_36 : i32
      %add3A_45 = arith.constant 6 : i32
      %add3A_46 = arith.addi %mul3A_6, %add3A_45 : i32
      %get3A_47 = arith.index_cast %add3A_46 : i32 to index
      %get3A_48 = memref.load %arg3[%get3A_47] : memref<425xf32, #tpu.memory_space<smem>>
      %gt3A_49 = arith.cmpf ogt, %get3A_48, %select_n3A_42 : f32
      %select_n3A_50 = arith.select %gt3A_49, %get3A_48, %select_n3A_42 : f32
      %jit3A_51 = arith.constant 6 : i32
      %select_n3A_52 = arith.select %gt3A_49, %jit3A_51, %select_n3A_44 : i32
      %add3A_53 = arith.constant 7 : i32
      %add3A_54 = arith.addi %mul3A_6, %add3A_53 : i32
      %get3A_55 = arith.index_cast %add3A_54 : i32 to index
      %get3A_56 = memref.load %arg3[%get3A_55] : memref<425xf32, #tpu.memory_space<smem>>
      %gt3A_57 = arith.cmpf ogt, %get3A_56, %select_n3A_50 : f32
      %select_n3A_58 = arith.select %gt3A_57, %get3A_56, %select_n3A_50 : f32
      %jit3A_59 = arith.constant 7 : i32
      %select_n3A_60 = arith.select %gt3A_57, %jit3A_59, %select_n3A_52 : i32
      %add3A_61 = arith.constant 8 : i32
      %add3A_62 = arith.addi %mul3A_6, %add3A_61 : i32
      %get3A_63 = arith.index_cast %add3A_62 : i32 to index
      %get3A_64 = memref.load %arg3[%get3A_63] : memref<425xf32, #tpu.memory_space<smem>>
      %gt3A_65 = arith.cmpf ogt, %get3A_64, %select_n3A_58 : f32
      %select_n3A_66 = arith.select %gt3A_65, %get3A_64, %select_n3A_58 : f32
      %jit3A_67 = arith.constant 8 : i32
      %select_n3A_68 = arith.select %gt3A_65, %jit3A_67, %select_n3A_60 : i32
      %add3A_69 = arith.constant 9 : i32
      %add3A_70 = arith.addi %mul3A_6, %add3A_69 : i32
      %get3A_71 = arith.index_cast %add3A_70 : i32 to index
      %get3A_72 = memref.load %arg3[%get3A_71] : memref<425xf32, #tpu.memory_space<smem>>
      %gt3A_73 = arith.cmpf ogt, %get3A_72, %select_n3A_66 : f32
      %select_n3A_74 = arith.select %gt3A_73, %get3A_72, %select_n3A_66 : f32
      %jit3A_75 = arith.constant 9 : i32
      %select_n3A_76 = arith.select %gt3A_73, %jit3A_75, %select_n3A_68 : i32
      %add3A_77 = arith.constant 10 : i32
      %add3A_78 = arith.addi %mul3A_6, %add3A_77 : i32
      %get3A_79 = arith.index_cast %add3A_78 : i32 to index
      %get3A_80 = memref.load %arg3[%get3A_79] : memref<425xf32, #tpu.memory_space<smem>>
      %gt3A_81 = arith.cmpf ogt, %get3A_80, %select_n3A_74 : f32
      %select_n3A_82 = arith.select %gt3A_81, %get3A_80, %select_n3A_74 : f32
      %jit3A_83 = arith.constant 10 : i32
      %select_n3A_84 = arith.select %gt3A_81, %jit3A_83, %select_n3A_76 : i32
      %add3A_85 = arith.constant 11 : i32
      %add3A_86 = arith.addi %mul3A_6, %add3A_85 : i32
      %get3A_87 = arith.index_cast %add3A_86 : i32 to index
      %get3A_88 = memref.load %arg3[%get3A_87] : memref<425xf32, #tpu.memory_space<smem>>
      %gt3A_89 = arith.cmpf ogt, %get3A_88, %select_n3A_82 : f32
      %select_n3A_90 = arith.select %gt3A_89, %get3A_88, %select_n3A_82 : f32
      %jit3A_91 = arith.constant 11 : i32
      %select_n3A_92 = arith.select %gt3A_89, %jit3A_91, %select_n3A_84 : i32
      %add3A_93 = arith.constant 12 : i32
      %add3A_94 = arith.addi %mul3A_6, %add3A_93 : i32
      %get3A_95 = arith.index_cast %add3A_94 : i32 to index
      %get3A_96 = memref.load %arg3[%get3A_95] : memref<425xf32, #tpu.memory_space<smem>>
      %gt3A_97 = arith.cmpf ogt, %get3A_96, %select_n3A_90 : f32
      %select_n3A_98 = arith.select %gt3A_97, %get3A_96, %select_n3A_90 : f32
      %jit3A_99 = arith.constant 12 : i32
      %select_n3A_100 = arith.select %gt3A_97, %jit3A_99, %select_n3A_92 : i32
      %add3A_101 = arith.constant 13 : i32
      %add3A_102 = arith.addi %mul3A_6, %add3A_101 : i32
      %get3A_103 = arith.index_cast %add3A_102 : i32 to index
      %get3A_104 = memref.load %arg3[%get3A_103] : memref<425xf32, #tpu.memory_space<smem>>
      %gt3A_105 = arith.cmpf ogt, %get3A_104, %select_n3A_98 : f32
      %select_n3A_106 = arith.select %gt3A_105, %get3A_104, %select_n3A_98 : f32
      %jit3A_107 = arith.constant 13 : i32
      %select_n3A_108 = arith.select %gt3A_105, %jit3A_107, %select_n3A_100 : i32
      %add3A_109 = arith.constant 14 : i32
      %add3A_110 = arith.addi %mul3A_6, %add3A_109 : i32
      %get3A_111 = arith.index_cast %add3A_110 : i32 to index
      %get3A_112 = memref.load %arg3[%get3A_111] : memref<425xf32, #tpu.memory_space<smem>>
      %gt3A_113 = arith.cmpf ogt, %get3A_112, %select_n3A_106 : f32
      %select_n3A_114 = arith.select %gt3A_113, %get3A_112, %select_n3A_106 : f32
      %jit3A_115 = arith.constant 14 : i32
      %select_n3A_116 = arith.select %gt3A_113, %jit3A_115, %select_n3A_108 : i32
      %add3A_117 = arith.constant 15 : i32
      %add3A_118 = arith.addi %mul3A_6, %add3A_117 : i32
      %get3A_119 = arith.index_cast %add3A_118 : i32 to index
      %get3A_120 = memref.load %arg3[%get3A_119] : memref<425xf32, #tpu.memory_space<smem>>
      %gt3A_121 = arith.cmpf ogt, %get3A_120, %select_n3A_114 : f32
      %select_n3A_122 = arith.select %gt3A_121, %get3A_120, %select_n3A_114 : f32
      %jit3A_123 = arith.constant 15 : i32
      %select_n3A_124 = arith.select %gt3A_121, %jit3A_123, %select_n3A_116 : i32
      %add3A_125 = arith.constant 16 : i32
      %add3A_126 = arith.addi %mul3A_6, %add3A_125 : i32
      %get3A_127 = arith.index_cast %add3A_126 : i32 to index
      %get3A_128 = memref.load %arg3[%get3A_127] : memref<425xf32, #tpu.memory_space<smem>>
      %gt3A_129 = arith.cmpf ogt, %get3A_128, %select_n3A_122 : f32
      %select_n3A_130 = arith.select %gt3A_129, %get3A_128, %select_n3A_122 : f32
      %jit3A_131 = arith.constant 16 : i32
      %select_n3A_132 = arith.select %gt3A_129, %jit3A_131, %select_n3A_124 : i32
      %add3A_133 = arith.constant 0 : i32
      %add3A_134 = arith.addi %mul3A_6, %add3A_133 : i32
      %get3A_135 = arith.index_cast %add3A_134 : i32 to index
      %get3A_136 = memref.load %arg3[%get3A_135] : memref<425xf32, #tpu.memory_space<smem>>
      %eq3A = arith.constant 0 : i32
      %eq3A_137 = arith.cmpi eq, %select_n3A_132, %eq3A : i32
      %jit3A_138 = arith.constant 1.000000e+00 : f32
      %jit3A_139 = arith.constant 0.000000e+00 : f32
      %select_n3A_140 = arith.select %eq3A_137, %jit3A_138, %jit3A_139 : f32
      %sub3A = arith.subf %select_n3A_140, %get3A_136 : f32
      %add3A_141 = arith.addf %sub3A, %get3A_136 : f32
      %add3A_142 = arith.constant 0 : i32
      %add3A_143 = arith.addi %mul3A_6, %add3A_142 : i32
      %swap3A = arith.index_cast %add3A_143 : i32 to index
      %swap3A_144 = memref.load %arg4[%swap3A] : memref<425xf32, #tpu.memory_space<smem>>
      memref.store %add3A_141, %arg4[%swap3A] : memref<425xf32, #tpu.memory_space<smem>>
      %add3A_145 = arith.constant 1 : i32
      %add3A_146 = arith.addi %mul3A_6, %add3A_145 : i32
      %get3A_147 = arith.index_cast %add3A_146 : i32 to index
      %get3A_148 = memref.load %arg3[%get3A_147] : memref<425xf32, #tpu.memory_space<smem>>
      %eq3A_149 = arith.constant 1 : i32
      %eq3A_150 = arith.cmpi eq, %select_n3A_132, %eq3A_149 : i32
      %jit3A_151 = arith.constant 1.000000e+00 : f32
      %jit3A_152 = arith.constant 0.000000e+00 : f32
      %select_n3A_153 = arith.select %eq3A_150, %jit3A_151, %jit3A_152 : f32
      %sub3A_154 = arith.subf %select_n3A_153, %get3A_148 : f32
      %add3A_155 = arith.addf %sub3A_154, %get3A_148 : f32
      %add3A_156 = arith.constant 1 : i32
      %add3A_157 = arith.addi %mul3A_6, %add3A_156 : i32
      %swap3A_158 = arith.index_cast %add3A_157 : i32 to index
      %swap3A_159 = memref.load %arg4[%swap3A_158] : memref<425xf32, #tpu.memory_space<smem>>
      memref.store %add3A_155, %arg4[%swap3A_158] : memref<425xf32, #tpu.memory_space<smem>>
      %add3A_160 = arith.constant 2 : i32
      %add3A_161 = arith.addi %mul3A_6, %add3A_160 : i32
      %get3A_162 = arith.index_cast %add3A_161 : i32 to index
      %get3A_163 = memref.load %arg3[%get3A_162] : memref<425xf32, #tpu.memory_space<smem>>
      %eq3A_164 = arith.constant 2 : i32
      %eq3A_165 = arith.cmpi eq, %select_n3A_132, %eq3A_164 : i32
      %jit3A_166 = arith.constant 1.000000e+00 : f32
      %jit3A_167 = arith.constant 0.000000e+00 : f32
      %select_n3A_168 = arith.select %eq3A_165, %jit3A_166, %jit3A_167 : f32
      %sub3A_169 = arith.subf %select_n3A_168, %get3A_163 : f32
      %add3A_170 = arith.addf %sub3A_169, %get3A_163 : f32
      %add3A_171 = arith.constant 2 : i32
      %add3A_172 = arith.addi %mul3A_6, %add3A_171 : i32
      %swap3A_173 = arith.index_cast %add3A_172 : i32 to index
      %swap3A_174 = memref.load %arg4[%swap3A_173] : memref<425xf32, #tpu.memory_space<smem>>
      memref.store %add3A_170, %arg4[%swap3A_173] : memref<425xf32, #tpu.memory_space<smem>>
      %add3A_175 = arith.constant 3 : i32
      %add3A_176 = arith.addi %mul3A_6, %add3A_175 : i32
      %get3A_177 = arith.index_cast %add3A_176 : i32 to index
      %get3A_178 = memref.load %arg3[%get3A_177] : memref<425xf32, #tpu.memory_space<smem>>
      %eq3A_179 = arith.constant 3 : i32
      %eq3A_180 = arith.cmpi eq, %select_n3A_132, %eq3A_179 : i32
      %jit3A_181 = arith.constant 1.000000e+00 : f32
      %jit3A_182 = arith.constant 0.000000e+00 : f32
      %select_n3A_183 = arith.select %eq3A_180, %jit3A_181, %jit3A_182 : f32
      %sub3A_184 = arith.subf %select_n3A_183, %get3A_178 : f32
      %add3A_185 = arith.addf %sub3A_184, %get3A_178 : f32
      %add3A_186 = arith.constant 3 : i32
      %add3A_187 = arith.addi %mul3A_6, %add3A_186 : i32
      %swap3A_188 = arith.index_cast %add3A_187 : i32 to index
      %swap3A_189 = memref.load %arg4[%swap3A_188] : memref<425xf32, #tpu.memory_space<smem>>
      memref.store %add3A_185, %arg4[%swap3A_188] : memref<425xf32, #tpu.memory_space<smem>>
      %add3A_190 = arith.constant 4 : i32
      %add3A_191 = arith.addi %mul3A_6, %add3A_190 : i32
      %get3A_192 = arith.index_cast %add3A_191 : i32 to index
      %get3A_193 = memref.load %arg3[%get3A_192] : memref<425xf32, #tpu.memory_space<smem>>
      %eq3A_194 = arith.constant 4 : i32
      %eq3A_195 = arith.cmpi eq, %select_n3A_132, %eq3A_194 : i32
      %jit3A_196 = arith.constant 1.000000e+00 : f32
      %jit3A_197 = arith.constant 0.000000e+00 : f32
      %select_n3A_198 = arith.select %eq3A_195, %jit3A_196, %jit3A_197 : f32
      %sub3A_199 = arith.subf %select_n3A_198, %get3A_193 : f32
      %add3A_200 = arith.addf %sub3A_199, %get3A_193 : f32
      %add3A_201 = arith.constant 4 : i32
      %add3A_202 = arith.addi %mul3A_6, %add3A_201 : i32
      %swap3A_203 = arith.index_cast %add3A_202 : i32 to index
      %swap3A_204 = memref.load %arg4[%swap3A_203] : memref<425xf32, #tpu.memory_space<smem>>
      memref.store %add3A_200, %arg4[%swap3A_203] : memref<425xf32, #tpu.memory_space<smem>>
      %add3A_205 = arith.constant 5 : i32
      %add3A_206 = arith.addi %mul3A_6, %add3A_205 : i32
      %get3A_207 = arith.index_cast %add3A_206 : i32 to index
      %get3A_208 = memref.load %arg3[%get3A_207] : memref<425xf32, #tpu.memory_space<smem>>
      %eq3A_209 = arith.constant 5 : i32
      %eq3A_210 = arith.cmpi eq, %select_n3A_132, %eq3A_209 : i32
      %jit3A_211 = arith.constant 1.000000e+00 : f32
      %jit3A_212 = arith.constant 0.000000e+00 : f32
      %select_n3A_213 = arith.select %eq3A_210, %jit3A_211, %jit3A_212 : f32
      %sub3A_214 = arith.subf %select_n3A_213, %get3A_208 : f32
      %add3A_215 = arith.addf %sub3A_214, %get3A_208 : f32
      %add3A_216 = arith.constant 5 : i32
      %add3A_217 = arith.addi %mul3A_6, %add3A_216 : i32
      %swap3A_218 = arith.index_cast %add3A_217 : i32 to index
      %swap3A_219 = memref.load %arg4[%swap3A_218] : memref<425xf32, #tpu.memory_space<smem>>
      memref.store %add3A_215, %arg4[%swap3A_218] : memref<425xf32, #tpu.memory_space<smem>>
      %add3A_220 = arith.constant 6 : i32
      %add3A_221 = arith.addi %mul3A_6, %add3A_220 : i32
      %get3A_222 = arith.index_cast %add3A_221 : i32 to index
      %get3A_223 = memref.load %arg3[%get3A_222] : memref<425xf32, #tpu.memory_space<smem>>
      %eq3A_224 = arith.constant 6 : i32
      %eq3A_225 = arith.cmpi eq, %select_n3A_132, %eq3A_224 : i32
      %jit3A_226 = arith.constant 1.000000e+00 : f32
      %jit3A_227 = arith.constant 0.000000e+00 : f32
      %select_n3A_228 = arith.select %eq3A_225, %jit3A_226, %jit3A_227 : f32
      %sub3A_229 = arith.subf %select_n3A_228, %get3A_223 : f32
      %add3A_230 = arith.addf %sub3A_229, %get3A_223 : f32
      %add3A_231 = arith.constant 6 : i32
      %add3A_232 = arith.addi %mul3A_6, %add3A_231 : i32
      %swap3A_233 = arith.index_cast %add3A_232 : i32 to index
      %swap3A_234 = memref.load %arg4[%swap3A_233] : memref<425xf32, #tpu.memory_space<smem>>
      memref.store %add3A_230, %arg4[%swap3A_233] : memref<425xf32, #tpu.memory_space<smem>>
      %add3A_235 = arith.constant 7 : i32
      %add3A_236 = arith.addi %mul3A_6, %add3A_235 : i32
      %get3A_237 = arith.index_cast %add3A_236 : i32 to index
      %get3A_238 = memref.load %arg3[%get3A_237] : memref<425xf32, #tpu.memory_space<smem>>
      %eq3A_239 = arith.constant 7 : i32
      %eq3A_240 = arith.cmpi eq, %select_n3A_132, %eq3A_239 : i32
      %jit3A_241 = arith.constant 1.000000e+00 : f32
      %jit3A_242 = arith.constant 0.000000e+00 : f32
      %select_n3A_243 = arith.select %eq3A_240, %jit3A_241, %jit3A_242 : f32
      %sub3A_244 = arith.subf %select_n3A_243, %get3A_238 : f32
      %add3A_245 = arith.addf %sub3A_244, %get3A_238 : f32
      %add3A_246 = arith.constant 7 : i32
      %add3A_247 = arith.addi %mul3A_6, %add3A_246 : i32
      %swap3A_248 = arith.index_cast %add3A_247 : i32 to index
      %swap3A_249 = memref.load %arg4[%swap3A_248] : memref<425xf32, #tpu.memory_space<smem>>
      memref.store %add3A_245, %arg4[%swap3A_248] : memref<425xf32, #tpu.memory_space<smem>>
      %add3A_250 = arith.constant 8 : i32
      %add3A_251 = arith.addi %mul3A_6, %add3A_250 : i32
      %get3A_252 = arith.index_cast %add3A_251 : i32 to index
      %get3A_253 = memref.load %arg3[%get3A_252] : memref<425xf32, #tpu.memory_space<smem>>
      %eq3A_254 = arith.constant 8 : i32
      %eq3A_255 = arith.cmpi eq, %select_n3A_132, %eq3A_254 : i32
      %jit3A_256 = arith.constant 1.000000e+00 : f32
      %jit3A_257 = arith.constant 0.000000e+00 : f32
      %select_n3A_258 = arith.select %eq3A_255, %jit3A_256, %jit3A_257 : f32
      %sub3A_259 = arith.subf %select_n3A_258, %get3A_253 : f32
      %add3A_260 = arith.addf %sub3A_259, %get3A_253 : f32
      %add3A_261 = arith.constant 8 : i32
      %add3A_262 = arith.addi %mul3A_6, %add3A_261 : i32
      %swap3A_263 = arith.index_cast %add3A_262 : i32 to index
      %swap3A_264 = memref.load %arg4[%swap3A_263] : memref<425xf32, #tpu.memory_space<smem>>
      memref.store %add3A_260, %arg4[%swap3A_263] : memref<425xf32, #tpu.memory_space<smem>>
      %add3A_265 = arith.constant 9 : i32
      %add3A_266 = arith.addi %mul3A_6, %add3A_265 : i32
      %get3A_267 = arith.index_cast %add3A_266 : i32 to index
      %get3A_268 = memref.load %arg3[%get3A_267] : memref<425xf32, #tpu.memory_space<smem>>
      %eq3A_269 = arith.constant 9 : i32
      %eq3A_270 = arith.cmpi eq, %select_n3A_132, %eq3A_269 : i32
      %jit3A_271 = arith.constant 1.000000e+00 : f32
      %jit3A_272 = arith.constant 0.000000e+00 : f32
      %select_n3A_273 = arith.select %eq3A_270, %jit3A_271, %jit3A_272 : f32
      %sub3A_274 = arith.subf %select_n3A_273, %get3A_268 : f32
      %add3A_275 = arith.addf %sub3A_274, %get3A_268 : f32
      %add3A_276 = arith.constant 9 : i32
      %add3A_277 = arith.addi %mul3A_6, %add3A_276 : i32
      %swap3A_278 = arith.index_cast %add3A_277 : i32 to index
      %swap3A_279 = memref.load %arg4[%swap3A_278] : memref<425xf32, #tpu.memory_space<smem>>
      memref.store %add3A_275, %arg4[%swap3A_278] : memref<425xf32, #tpu.memory_space<smem>>
      %add3A_280 = arith.constant 10 : i32
      %add3A_281 = arith.addi %mul3A_6, %add3A_280 : i32
      %get3A_282 = arith.index_cast %add3A_281 : i32 to index
      %get3A_283 = memref.load %arg3[%get3A_282] : memref<425xf32, #tpu.memory_space<smem>>
      %eq3A_284 = arith.constant 10 : i32
      %eq3A_285 = arith.cmpi eq, %select_n3A_132, %eq3A_284 : i32
      %jit3A_286 = arith.constant 1.000000e+00 : f32
      %jit3A_287 = arith.constant 0.000000e+00 : f32
      %select_n3A_288 = arith.select %eq3A_285, %jit3A_286, %jit3A_287 : f32
      %sub3A_289 = arith.subf %select_n3A_288, %get3A_283 : f32
      %add3A_290 = arith.addf %sub3A_289, %get3A_283 : f32
      %add3A_291 = arith.constant 10 : i32
      %add3A_292 = arith.addi %mul3A_6, %add3A_291 : i32
      %swap3A_293 = arith.index_cast %add3A_292 : i32 to index
      %swap3A_294 = memref.load %arg4[%swap3A_293] : memref<425xf32, #tpu.memory_space<smem>>
      memref.store %add3A_290, %arg4[%swap3A_293] : memref<425xf32, #tpu.memory_space<smem>>
      %add3A_295 = arith.constant 11 : i32
      %add3A_296 = arith.addi %mul3A_6, %add3A_295 : i32
      %get3A_297 = arith.index_cast %add3A_296 : i32 to index
      %get3A_298 = memref.load %arg3[%get3A_297] : memref<425xf32, #tpu.memory_space<smem>>
      %eq3A_299 = arith.constant 11 : i32
      %eq3A_300 = arith.cmpi eq, %select_n3A_132, %eq3A_299 : i32
      %jit3A_301 = arith.constant 1.000000e+00 : f32
      %jit3A_302 = arith.constant 0.000000e+00 : f32
      %select_n3A_303 = arith.select %eq3A_300, %jit3A_301, %jit3A_302 : f32
      %sub3A_304 = arith.subf %select_n3A_303, %get3A_298 : f32
      %add3A_305 = arith.addf %sub3A_304, %get3A_298 : f32
      %add3A_306 = arith.constant 11 : i32
      %add3A_307 = arith.addi %mul3A_6, %add3A_306 : i32
      %swap3A_308 = arith.index_cast %add3A_307 : i32 to index
      %swap3A_309 = memref.load %arg4[%swap3A_308] : memref<425xf32, #tpu.memory_space<smem>>
      memref.store %add3A_305, %arg4[%swap3A_308] : memref<425xf32, #tpu.memory_space<smem>>
      %add3A_310 = arith.constant 12 : i32
      %add3A_311 = arith.addi %mul3A_6, %add3A_310 : i32
      %get3A_312 = arith.index_cast %add3A_311 : i32 to index
      %get3A_313 = memref.load %arg3[%get3A_312] : memref<425xf32, #tpu.memory_space<smem>>
      %eq3A_314 = arith.constant 12 : i32
      %eq3A_315 = arith.cmpi eq, %select_n3A_132, %eq3A_314 : i32
      %jit3A_316 = arith.constant 1.000000e+00 : f32
      %jit3A_317 = arith.constant 0.000000e+00 : f32
      %select_n3A_318 = arith.select %eq3A_315, %jit3A_316, %jit3A_317 : f32
      %sub3A_319 = arith.subf %select_n3A_318, %get3A_313 : f32
      %add3A_320 = arith.addf %sub3A_319, %get3A_313 : f32
      %add3A_321 = arith.constant 12 : i32
      %add3A_322 = arith.addi %mul3A_6, %add3A_321 : i32
      %swap3A_323 = arith.index_cast %add3A_322 : i32 to index
      %swap3A_324 = memref.load %arg4[%swap3A_323] : memref<425xf32, #tpu.memory_space<smem>>
      memref.store %add3A_320, %arg4[%swap3A_323] : memref<425xf32, #tpu.memory_space<smem>>
      %add3A_325 = arith.constant 13 : i32
      %add3A_326 = arith.addi %mul3A_6, %add3A_325 : i32
      %get3A_327 = arith.index_cast %add3A_326 : i32 to index
      %get3A_328 = memref.load %arg3[%get3A_327] : memref<425xf32, #tpu.memory_space<smem>>
      %eq3A_329 = arith.constant 13 : i32
      %eq3A_330 = arith.cmpi eq, %select_n3A_132, %eq3A_329 : i32
      %jit3A_331 = arith.constant 1.000000e+00 : f32
      %jit3A_332 = arith.constant 0.000000e+00 : f32
      %select_n3A_333 = arith.select %eq3A_330, %jit3A_331, %jit3A_332 : f32
      %sub3A_334 = arith.subf %select_n3A_333, %get3A_328 : f32
      %add3A_335 = arith.addf %sub3A_334, %get3A_328 : f32
      %add3A_336 = arith.constant 13 : i32
      %add3A_337 = arith.addi %mul3A_6, %add3A_336 : i32
      %swap3A_338 = arith.index_cast %add3A_337 : i32 to index
      %swap3A_339 = memref.load %arg4[%swap3A_338] : memref<425xf32, #tpu.memory_space<smem>>
      memref.store %add3A_335, %arg4[%swap3A_338] : memref<425xf32, #tpu.memory_space<smem>>
      %add3A_340 = arith.constant 14 : i32
      %add3A_341 = arith.addi %mul3A_6, %add3A_340 : i32
      %get3A_342 = arith.index_cast %add3A_341 : i32 to index
      %get3A_343 = memref.load %arg3[%get3A_342] : memref<425xf32, #tpu.memory_space<smem>>
      %eq3A_344 = arith.constant 14 : i32
      %eq3A_345 = arith.cmpi eq, %select_n3A_132, %eq3A_344 : i32
      %jit3A_346 = arith.constant 1.000000e+00 : f32
      %jit3A_347 = arith.constant 0.000000e+00 : f32
      %select_n3A_348 = arith.select %eq3A_345, %jit3A_346, %jit3A_347 : f32
      %sub3A_349 = arith.subf %select_n3A_348, %get3A_343 : f32
      %add3A_350 = arith.addf %sub3A_349, %get3A_343 : f32
      %add3A_351 = arith.constant 14 : i32
      %add3A_352 = arith.addi %mul3A_6, %add3A_351 : i32
      %swap3A_353 = arith.index_cast %add3A_352 : i32 to index
      %swap3A_354 = memref.load %arg4[%swap3A_353] : memref<425xf32, #tpu.memory_space<smem>>
      memref.store %add3A_350, %arg4[%swap3A_353] : memref<425xf32, #tpu.memory_space<smem>>
      %add3A_355 = arith.constant 15 : i32
      %add3A_356 = arith.addi %mul3A_6, %add3A_355 : i32
      %get3A_357 = arith.index_cast %add3A_356 : i32 to index
      %get3A_358 = memref.load %arg3[%get3A_357] : memref<425xf32, #tpu.memory_space<smem>>
      %eq3A_359 = arith.constant 15 : i32
      %eq3A_360 = arith.cmpi eq, %select_n3A_132, %eq3A_359 : i32
      %jit3A_361 = arith.constant 1.000000e+00 : f32
      %jit3A_362 = arith.constant 0.000000e+00 : f32
      %select_n3A_363 = arith.select %eq3A_360, %jit3A_361, %jit3A_362 : f32
      %sub3A_364 = arith.subf %select_n3A_363, %get3A_358 : f32
      %add3A_365 = arith.addf %sub3A_364, %get3A_358 : f32
      %add3A_366 = arith.constant 15 : i32
      %add3A_367 = arith.addi %mul3A_6, %add3A_366 : i32
      %swap3A_368 = arith.index_cast %add3A_367 : i32 to index
      %swap3A_369 = memref.load %arg4[%swap3A_368] : memref<425xf32, #tpu.memory_space<smem>>
      memref.store %add3A_365, %arg4[%swap3A_368] : memref<425xf32, #tpu.memory_space<smem>>
      %add3A_370 = arith.constant 16 : i32
      %add3A_371 = arith.addi %mul3A_6, %add3A_370 : i32
      %get3A_372 = arith.index_cast %add3A_371 : i32 to index
      %get3A_373 = memref.load %arg3[%get3A_372] : memref<425xf32, #tpu.memory_space<smem>>
      %eq3A_374 = arith.constant 16 : i32
      %eq3A_375 = arith.cmpi eq, %select_n3A_132, %eq3A_374 : i32
      %jit3A_376 = arith.constant 1.000000e+00 : f32
      %jit3A_377 = arith.constant 0.000000e+00 : f32
      %select_n3A_378 = arith.select %eq3A_375, %jit3A_376, %jit3A_377 : f32
      %sub3A_379 = arith.subf %select_n3A_378, %get3A_373 : f32
      %add3A_380 = arith.addf %sub3A_379, %get3A_373 : f32
      %add3A_381 = arith.constant 16 : i32
      %add3A_382 = arith.addi %mul3A_6, %add3A_381 : i32
      %swap3A_383 = arith.index_cast %add3A_382 : i32 to index
      %swap3A_384 = memref.load %arg4[%swap3A_383] : memref<425xf32, #tpu.memory_space<smem>>
      memref.store %add3A_380, %arg4[%swap3A_383] : memref<425xf32, #tpu.memory_space<smem>>
    }
    %scan3A_4 = arith.constant 25 : i32
    "tpu.region"() ({
      %run_scoped3A = tpu.sem_alloc : memref<!tpu.dma_semaphore, #tpu.memory_space<semaphore_mem>>
      tpu.enqueue_dma source(%arg4 : memref<425xf32, #tpu.memory_space<smem>>) target(%arg2 : memref<425xf32, #tpu.memory_space<hbm>>) target_semaphore(%run_scoped3A : memref<!tpu.dma_semaphore, #tpu.memory_space<semaphore_mem>>)
      tpu.wait_dma2 semaphore(%run_scoped3A : memref<!tpu.dma_semaphore, #tpu.memory_space<semaphore_mem>>) src(%arg4 : memref<425xf32, #tpu.memory_space<smem>>) dst(%arg2 : memref<425xf32, #tpu.memory_space<hbm>>)
      tpu.yield
    }) : () -> ()
    return
  }
}

</mosaic_0001>

<sc_bundles>
// kernel: kernel.3.cloned.1.call-start
scs
__scs_entry_jumppad:
0x0: {  	(pc) =	sbr.rel $0x88, $3  }
0x1: {  	(tag) =	ssettag $0x0;
	lr =	simm.s32 $0x1  }
0x2: {  	[smem:$0x3FA0] =	sst lr;
	_ =	strace $0xD0000000  }
0x3: {  	_ = 	snop  }
0x4: {  	_ = 	snop  }
0x5: {  	_ = 	snop  }
0x6: {  	_ = 	snop  }
0x7: {  	_ = 	snop  }
__scs_overlays_trampoline_lowered:
0x8: {  	[smem:$0x3FAF] =	sst s0  }
0x9: {  	[smem:$0x3FB0] =	sst s1  }
0xa: {  	[smem:$0x3FB1] =	sst s2  }
0xb: {  	[smem:$0x3FB2] =	sst s3  }
0xc: {  	[smem:$0x3FB3] =	sst s4  }
0xd: {  	[smem:$0x3FB4] =	sst s5  }
0xe: {  	[smem:$0x3FB5] =	sst s6  }
0xf: {  	[smem:$0x3FB6] =	sst s7  }
0x10: {  	[smem:$0x3FB7] =	sst s8  }
0x11: {  	[smem:$0x3FB8] =	sst s9;
	s0 =	simm.s32 @!p0 $0x0  }
0x12: {  	s1 =	sld [smem:$0x3F9E];
	s0 =	simm.s32 @p0 $0x1  }
0x13: {  	[smem:$0x3FB9] =	sst s0;
	s0 =	simm.s32 @!p1 $0x0  }
0x14: {  	s2 =	sld [smem:$0x3F9D];
	s0 =	simm.s32 @p1 $0x1  }
0x15: {  	[smem:$0x3FBA] =	sst s0;
	s0 =	simm.s32 @!p2 $0x0  }
0x16: {  	s3 =	sld [smem:$0x3FDB];
	s0 =	simm.s32 @p2 $0x1  }
0x17: {  	s4 =	simm.s32 $0x1BF5;
	[smem:$0x3FBC] =	sst s0  }
0x18: {  	s0 =	sld [smem:$0x3F9F];
	_ =	swait.ge [sflag:s4], $0x0  }
0x19: {  	s7 =	sld [smem:$0x3FA0]  }
0x1a: {  	s8 =	sadd.s32 $0xFFFFE003, lr  }
0x1b: {  	s9 =	sadd.s32 $0xFFFFFEF7, lr;
	s5 =	simm.s32 $0xFFFFFFFF;
	p2 =	slt.u32 s8, $0xFFFFF086  }
0x1c: {  	p1 =	slt.u32 s9, $0xF7A;
	s5 =	simm.s32 @!p2 $0x0  }
0x1d: {  	s5 =	simm.s32 @p1 $0x1;
	p0 =	seq.s32 s7, s2  }
0x1e: {  	s7 =	smul.u32 @!p0 $0xF7A, s2;
	p2 =	seq.s32 @!p0 s5, $0x0  }
0x1f: {  	s9 =	smul.u32 $0xF7A, s1;
	s8 =	simm.s32 @!p0 $0x1BF5;
	p2 =	por !p2, p0  }
0x20: {  	[sflag:s8] =	ssyncset.s32 @!p0 $0xFFFFF086;
	s6 =	sadd.s32 @!p0 s3, s7;
	s7 =	simm.s32 @!p0 $0x108  }
0x21: {  	s3 =	sadd.s32 s3, s9;
	s6 =	sadd.s32 @!p0 $0x88, s6;
	s7 =	simm.s32 @p2 $0x1082  }
0x22: {  	[simem:s7], [sflag:s8] =	dma.local @!p0 [hbm:s6], $0xF7A  }
0x23: {  	s9 =	sor.u32 $0xD0000000, s2;
	s6 =	simm.s32 $0x108;
	_ =	swait.ge @!p0 [sflag:s8], $0x0  }
0x24: {  	s3 =	sadd.s32 $0x88, s3;
	s6 =	simm.s32 @!p1 $0x1082;
	[sflag:s4] =	ssyncset.s32 $0xFFFFF086  }
0x25: {  	[simem:s6], [sflag:s4] =	dma.local [hbm:s3], $0xF7A  }
0x26: {  	[smem:$0x3FA0] =	sst s1;
	(tag) =	ssettag s2;
	_ =	strace s9  }
0x27: {  	s1 =	sld [smem:$0x3FB0]  }
0x28: {  	s2 =	sld [smem:$0x3FB1]  }
0x29: {  	s4 =	sld [smem:$0x3FB3]  }
0x2a: {  	p0 =	seq.s32 s5, $0x0;
	s5 =	sld [smem:$0x3FB4]  }
0x2b: {  	s6 =	sld [smem:$0x3FB5]  }
0x2c: {  	s7 =	sld [smem:$0x3FB6]  }
0x2d: {  	s3 =	simm.s32 $0x108;
	s8 =	sld [smem:$0x3FB7]  }
0x2e: {  	s3 =	simm.s32 @!p0 $0x1082;
	s9 =	sld [smem:$0x3FB8]  }
0x2f: {  	lr =	sadd.s32 s0, s3;
	s0 =	sld [smem:$0x3FAF]  }
0x30: {  	s3 =	sld [smem:$0x3FB2]  }
0x31: {  	[smem:$0x3FBB] =	sst s10  }
0x32: {  	s10 =	sld [smem:$0x3FB9];
	_ =	sdelay $0x3  }
0x33: {  	p0 =	seq.s32 s10, $0x1;
	s10 =	sld [smem:$0x3FBB];
	_ =	sdelay $0x3  }
0x34: {  	[smem:$0x3FBB] =	sst s10  }
0x35: {  	s10 =	sld [smem:$0x3FBA];
	_ =	sdelay $0x3  }
0x36: {  	p1 =	seq.s32 s10, $0x1;
	s10 =	sld [smem:$0x3FBB];
	_ =	sdelay $0x3  }
0x37: {  	[smem:$0x3FBB] =	sst s10  }
0x38: {  	s10 =	sld [smem:$0x3FBC]  }
0x39: {  	_ = 	snop;
	(pc) =	sbr.ind lr, $3  }
0x3a: {  	_ = 	snop  }
0x3b: {  	_ = 	snop  }
0x3c: {  	p2 =	seq.s32 s10, $0x1;
	s10 =	sld [smem:$0x3FBB]  }
0x3d: {  	_ =	shalt  }
0x3e: {  	_ =	shalt  }
0x3f: {  	_ =	shalt  }
0x40: {  	_ =	shalt  }
0x41: {  	_ =	shalt  }
0x42: {  	_ =	shalt  }
0x43: {  	_ =	shalt  }
0x44: {  	_ =	shalt  }
0x45: {  	_ =	shalt  }
0x46: {  	_ =	shalt  }
0x47: {  	_ =	shalt  }
0x48: {  	_ =	shalt  }
0x49: {  	_ =	shalt  }
0x4a: {  	_ =	shalt  }
0x4b: {  	_ =	shalt  }
0x4c: {  	_ =	shalt  }
0x4d: {  	_ =	shalt  }
0x4e: {  	_ =	shalt  }
0x4f: {  	_ =	shalt  }
0x50: {  	_ =	shalt  }
0x51: {  	_ =	shalt  }
0x52: {  	_ =	shalt  }
0x53: {  	_ =	shalt  }
0x54: {  	_ =	shalt  }
0x55: {  	_ =	shalt  }
0x56: {  	_ =	shalt  }
0x57: {  	_ =	shalt  }
0x58: {  	_ =	shalt  }
0x59: {  	_ =	shalt  }
0x5a: {  	_ =	shalt  }
0x5b: {  	_ =	shalt  }
0x5c: {  	_ =	shalt  }
0x5d: {  	_ =	shalt  }
0x5e: {  	_ =	shalt  }
0x5f: {  	_ =	shalt  }
0x60: {  	_ =	shalt  }
0x61: {  	_ =	shalt  }
0x62: {  	_ =	shalt  }
0x63: {  	_ =	shalt  }
0x64: {  	_ =	shalt  }
0x65: {  	_ =	shalt  }
0x66: {  	_ =	shalt  }
0x67: {  	_ =	shalt  }
0x68: {  	_ =	shalt  }
0x69: {  	_ =	shalt  }
0x6a: {  	_ =	shalt  }
0x6b: {  	_ =	shalt  }
0x6c: {  	_ =	shalt  }
0x6d: {  	_ =	shalt  }
0x6e: {  	_ =	shalt  }
0x6f: {  	_ =	shalt  }
0x70: {  	_ =	shalt  }
0x71: {  	_ =	shalt  }
0x72: {  	_ =	shalt  }
0x73: {  	_ =	shalt  }
0x74: {  	_ =	shalt  }
0x75: {  	_ =	shalt  }
0x76: {  	_ =	shalt  }
0x77: {  	_ =	shalt  }
0x78: {  	_ =	shalt  }
0x79: {  	_ =	shalt  }
0x7a: {  	_ =	shalt  }
0x7b: {  	_ =	shalt  }
0x7c: {  	_ =	shalt  }
0x7d: {  	_ =	shalt  }
0x7e: {  	_ =	shalt  }
0x7f: {  	_ =	shalt  }
0x80: {  	_ =	shalt  }
0x81: {  	_ =	shalt  }
0x82: {  	_ =	shalt  }
0x83: {  	_ =	shalt  }
0x84: {  	_ =	shalt  }
0x85: {  	_ =	shalt  }
0x86: {  	_ =	shalt  }
0x87: {  	_ =	shalt  }
.Lfunc_end0:
.L_simem_size_0:
called_computation_lowered:
.L_overlay_start_0:
0x88: {  	s0 =	sld [smem:$0x3FD9]  }
0x89: {  	s1 =	sld [smem:$0x3FFE];
	_ =	sdelay $0x3  }
0x8a: {  	s0 =	sadd.s32 s1, s0  }
0x8b: {  	[smem:$0x3FC7] =	sst s0  }
0x8c: {  	_ = 	snop  }
0x8d: {  	s4 =	sld [smem:$0x3FD0];
	(tm) =	ssettm $0x1  }
0x8e: {  	s5 =	sld [smem:$0x3FFB];
	_ =	sdelay $0x3  }
0x8f: {  	_ =	strace s5  }
0x90: {  	s0 =	sld [smem:$0x3FFC];
	_ =	sdelay $0x3  }
0x91: {  	_ =	strace s0  }
0x92: {  	s0 =	sld [smem:$0x3FFD];
	_ =	sdelay $0x3  }
0x93: {  	_ =	strace s0  }
0x94: {  	s6 =	simm.s32 $0x1B8B;
	_ =	strace $0x8FFFFFFF  }
0x95: {  	_ =	swait.ge [sflag:s6], $0x1  }
0x96: {  	[sflag:s6] =	ssyncset.done $0x0  }
0x97: {  	s7 =	simm.s32 $0x1B8E;
	[sflag:s6] =	ssyncadd.s32 $0xFFFFFFFF  }
0x98: {  	s3 =	simm.s32 $0x10;
	[smem:$0x3FD2] =	sst s7  }
0x99: {  	s0 =	simm.s32 $0x9;
	s2 =	sld [smem:$0x3FFE];
	_ =	strace $0x80000046  }
0x9a: {  	[smem:s3], [sflag:s0] =	dma.local [hbm:s4], $0x40  }
0x9b: {  	_ =	swait.ge [sflag:s0], $0x40  }
0x9c: {  	[sflag:s0] =	ssyncset.done $0x0  }
0x9d: {  	[sflag:s0] =	ssyncadd.s32 $0xFFFFFFC0  }
0x9e: {  	s8 =	sld [smem:$0x10]  }
0x9f: {  	s1 =	sld [smem:$0x11];
	_ =	sdelay $0x2  }
0xa0: {  	s4 =	sld [smem:$0x12]  }
0xa1: {  	p0 =	sgt.f32 s1, s8  }
0xa2: {  	s5 =	smov.u32 s8  }
0xa3: {  	s6 =	sld [smem:$0x13];
	s5 =	smov.u32 @p0 s1  }
0xa4: {  	p1 =	sgt.f32 s4, s5;
	_ =	sdelay $0x1  }
0xa5: {  	s1 =	simm.s32 @!p1 $0x0;
	s5 =	smov.u32 @p1 s4  }
0xa6: {  	s1 =	simm.s32 @p1 $0x1;
	p1 =	sgt.f32 s6, s5  }
0xa7: {  	[smem:$0x3F99] =	sst s1  }
0xa8: {  	s1 =	sld [smem:$0x14];
	s4 =	simm.s32 @!p1 $0x0  }
0xa9: {  	s4 =	simm.s32 @p1 $0x1  }
0xaa: {  	[smem:$0x3F9A] =	sst s4  }
0xab: {  	s5 =	smov.u32 @p1 s6;
	s4 =	sld [smem:$0x15]  }
0xac: {  	p1 =	sgt.f32 s1, s5;
	_ =	sdelay $0x1  }
0xad: {  	s6 =	simm.s32 @!p1 $0x0;
	s5 =	smov.u32 @p1 s1  }
0xae: {  	s6 =	simm.s32 @p1 $0x1;
	p1 =	sgt.f32 s4, s5  }
0xaf: {  	[smem:$0x3F9B] =	sst s6  }
0xb0: {  	s6 =	sld [smem:$0x16];
	s1 =	simm.s32 @!p1 $0x0  }
0xb1: {  	s1 =	simm.s32 @p1 $0x1  }
0xb2: {  	[smem:$0x3F9C] =	sst s1  }
0xb3: {  	s5 =	smov.u32 @p1 s4;
	s1 =	sld [smem:$0x17]  }
0xb4: {  	p5 =	sgt.f32 s6, s5;
	_ =	sdelay $0x1  }
0xb5: {  	s4 =	sld [smem:$0x18];
	s5 =	smov.u32 @p5 s6  }
0xb6: {  	p6 =	sgt.f32 s1, s5;
	_ =	sdelay $0x1  }
0xb7: {  	s6 =	sld [smem:$0x19];
	s5 =	smov.u32 @p6 s1  }
0xb8: {  	p2 =	sgt.f32 s4, s5;
	_ =	sdelay $0x1  }
0xb9: {  	s7 =	sld [smem:$0x1A];
	s5 =	smov.u32 @p2 s4  }
0xba: {  	s4 =	sld [smem:$0x1B];
	p3 =	sgt.f32 s6, s5  }
0xbb: {  	s9 =	sld [smem:$0x3F99]  }
0xbc: {  	s5 =	smov.u32 @p3 s6;
	s6 =	sld [smem:$0x1C]  }
0xbd: {  	p1 =	sgt.f32 s7, s5;
	s10 =	sld [smem:$0x3F9A]  }
0xbe: {  	s11 =	sld [smem:$0x3F9B]  }
0xbf: {  	s1 =	simm.s32 $0x1;
	s5 =	smov.u32 @p1 s7;
	s7 =	sld [smem:$0x1D]  }
0xc0: {  	s1 =	simm.s32 @!p0 $0x0;
	p0 =	seq.s32 s9, $0x1;
	s12 =	sld [smem:$0x3F9C]  }
0xc1: {  	s1 =	simm.s32 @p0 $0x2;
	p0 =	seq.s32 s10, $0x1  }
0xc2: {  	s1 =	simm.s32 @p0 $0x3;
	p0 =	sgt.f32 s4, s5  }
0xc3: {  	p4 =	seq.s32 s11, $0x1  }
0xc4: {  	s1 =	simm.s32 @p4 $0x4;
	s5 =	smov.u32 @p0 s4;
	p4 =	seq.s32 s12, $0x1  }
0xc5: {  	s1 =	simm.s32 @p4 $0x5;
	p4 =	sgt.f32 s6, s5;
	_ =	sdelay $0x1  }
0xc6: {  	s4 =	sld [smem:$0x1E];
	s5 =	smov.u32 @p4 s6  }
0xc7: {  	s1 =	simm.s32 @p5 $0x6;
	p5 =	sgt.f32 s7, s5;
	_ =	sdelay $0x1  }
0xc8: {  	s1 =	simm.s32 @p6 $0x7;
	s6 =	sld [smem:$0x1F];
	s5 =	smov.u32 @p5 s7  }
0xc9: {  	s1 =	simm.s32 @p2 $0x8;
	p2 =	sgt.f32 s4, s5  }
0xca: {  	s1 =	simm.s32 @p3 $0x9  }
0xcb: {  	s13 =	sld [smem:$0x20];
	s1 =	simm.s32 @p1 $0xA;
	s5 =	smov.u32 @p2 s4  }
0xcc: {  	s1 =	simm.s32 @p0 $0xB;
	p0 =	sgt.f32 s6, s5  }
0xcd: {  	s1 =	simm.s32 @p4 $0xC  }
0xce: {  	s1 =	simm.s32 @p5 $0xD;
	s5 =	smov.u32 @p0 s6  }
0xcf: {  	s1 =	simm.s32 @p2 $0xE;
	p1 =	sgt.f32 s13, s5  }
0xd0: {  	s1 =	simm.s32 @p0 $0xF  }
0xd1: {  	s1 =	simm.s32 @p1 $0x10  }
0xd2: {  	s4 =	simm.f32 $1.000000000e+00;
	p0 =	seq.s32 s1, $0x0  }
0xd3: {  	s4 =	simm.s32 @!p0 $0x0  }
0xd4: {  	s4 =	ssub.f32 s4, s8;
	_ =	sdelay $0x1  }
0xd5: {  	s3 =	sadd.f32 s4, s8  }
0xd6: {  	s14 =	simm.s32 $0x210  }
0xd7: {  	[smem:s14] =	sst s3  }
0xd8: {  	s3 =	sld [smem:$0x11];
	_ =	sdelay $0x1  }
0xd9: {  	p0 =	seq.s32 s1, $0x1;
	s4 =	simm.f32 $1.000000000e+00  }
0xda: {  	s4 =	simm.s32 @!p0 $0x0  }
0xdb: {  	s4 =	ssub.f32 s4, s3;
	_ =	sdelay $0x1  }
0xdc: {  	s3 =	sadd.f32 s4, s3  }
0xdd: {  	s15 =	simm.s32 $0x211  }
0xde: {  	[smem:s15] =	sst s3  }
0xdf: {  	s3 =	sld [smem:$0x12];
	_ =	sdelay $0x1  }
0xe0: {  	p0 =	seq.s32 s1, $0x2;
	s4 =	simm.f32 $1.000000000e+00  }
0xe1: {  	s4 =	simm.s32 @!p0 $0x0  }
0xe2: {  	s4 =	ssub.f32 s4, s3;
	_ =	sdelay $0x1  }
0xe3: {  	s3 =	sadd.f32 s4, s3  }
0xe4: {  	s16 =	simm.s32 $0x212  }
0xe5: {  	[smem:s16] =	sst s3  }
0xe6: {  	s3 =	sld [smem:$0x13];
	_ =	sdelay $0x1  }
0xe7: {  	p0 =	seq.s32 s1, $0x3;
	s4 =	simm.f32 $1.000000000e+00  }
0xe8: {  	s4 =	simm.s32 @!p0 $0x0  }
0xe9: {  	s4 =	ssub.f32 s4, s3;
	_ =	sdelay $0x1  }
0xea: {  	s3 =	sadd.f32 s4, s3  }
0xeb: {  	s17 =	simm.s32 $0x213  }
0xec: {  	[smem:s17] =	sst s3  }
0xed: {  	s3 =	sld [smem:$0x14];
	_ =	sdelay $0x1  }
0xee: {  	p0 =	seq.s32 s1, $0x4;
	s4 =	simm.f32 $1.000000000e+00  }
0xef: {  	s4 =	simm.s32 @!p0 $0x0  }
0xf0: {  	s4 =	ssub.f32 s4, s3;
	_ =	sdelay $0x1  }
0xf1: {  	s3 =	sadd.f32 s4, s3  }
0xf2: {  	s18 =	simm.s32 $0x214  }
0xf3: {  	[smem:s18] =	sst s3  }
0xf4: {  	s3 =	sld [smem:$0x15];
	_ =	sdelay $0x1  }
0xf5: {  	p0 =	seq.s32 s1, $0x5;
	s4 =	simm.f32 $1.000000000e+00  }
0xf6: {  	s4 =	simm.s32 @!p0 $0x0  }
0xf7: {  	s4 =	ssub.f32 s4, s3;
	_ =	sdelay $0x1  }
0xf8: {  	s3 =	sadd.f32 s4, s3  }
0xf9: {  	s19 =	simm.s32 $0x215  }
0xfa: {  	[smem:s19] =	sst s3  }
0xfb: {  	s3 =	sld [smem:$0x16];
	_ =	sdelay $0x1  }
0xfc: {  	p0 =	seq.s32 s1, $0x6;
	s4 =	simm.f32 $1.000000000e+00  }
0xfd: {  	s4 =	simm.s32 @!p0 $0x0  }
0xfe: {  	s4 =	ssub.f32 s4, s3;
	_ =	sdelay $0x1  }
0xff: {  	s3 =	sadd.f32 s4, s3  }
0x100: {  	s20 =	simm.s32 $0x216  }
0x101: {  	[smem:s20] =	sst s3  }
0x102: {  	s3 =	sld [smem:$0x17];
	_ =	sdelay $0x1  }
0x103: {  	p0 =	seq.s32 s1, $0x7;
	s4 =	simm.f32 $1.000000000e+00  }
0x104: {  	s4 =	simm.s32 @!p0 $0x0  }
0x105: {  	s4 =	ssub.f32 s4, s3;
	_ =	sdelay $0x1  }
0x106: {  	s3 =	sadd.f32 s4, s3  }
0x107: {  	s21 =	simm.s32 $0x217  }
0x108: {  	[smem:s21] =	sst s3  }
0x109: {  	s3 =	sld [smem:$0x18];
	_ =	sdelay $0x1  }
0x10a: {  	p0 =	seq.s32 s1, $0x8;
	s4 =	simm.f32 $1.000000000e+00  }
0x10b: {  	s4 =	simm.s32 @!p0 $0x0  }
0x10c: {  	s4 =	ssub.f32 s4, s3;
	_ =	sdelay $0x1  }
0x10d: {  	s3 =	sadd.f32 s4, s3  }
0x10e: {  	s22 =	simm.s32 $0x218  }
0x10f: {  	[smem:s22] =	sst s3  }
0x110: {  	s3 =	sld [smem:$0x19];
	_ =	sdelay $0x1  }
0x111: {  	p0 =	seq.s32 s1, $0x9;
	s4 =	simm.f32 $1.000000000e+00  }
0x112: {  	s4 =	simm.s32 @!p0 $0x0  }
0x113: {  	s4 =	ssub.f32 s4, s3;
	_ =	sdelay $0x1  }
0x114: {  	s3 =	sadd.f32 s4, s3  }
0x115: {  	s23 =	simm.s32 $0x219  }
0x116: {  	[smem:s23] =	sst s3  }
0x117: {  	s3 =	sld [smem:$0x1A];
	_ =	sdelay $0x1  }
0x118: {  	p0 =	seq.s32 s1, $0xA;
	s4 =	simm.f32 $1.000000000e+00  }
0x119: {  	s4 =	simm.s32 @!p0 $0x0  }
0x11a: {  	s4 =	ssub.f32 s4, s3;
	_ =	sdelay $0x1  }
0x11b: {  	s3 =	sadd.f32 s4, s3  }
0x11c: {  	s24 =	simm.s32 $0x21A  }
0x11d: {  	[smem:s24] =	sst s3  }
0x11e: {  	s3 =	sld [smem:$0x1B];
	_ =	sdelay $0x1  }
0x11f: {  	p0 =	seq.s32 s1, $0xB;
	s4 =	simm.f32 $1.000000000e+00  }
0x120: {  	s4 =	simm.s32 @!p0 $0x0  }
0x121: {  	s4 =	ssub.f32 s4, s3;
	_ =	sdelay $0x1  }
0x122: {  	s3 =	sadd.f32 s4, s3  }
0x123: {  	s25 =	simm.s32 $0x21B  }
0x124: {  	[smem:s25] =	sst s3  }
0x125: {  	s3 =	sld [smem:$0x1C];
	_ =	sdelay $0x1  }
0x126: {  	p0 =	seq.s32 s1, $0xC;
	s4 =	simm.f32 $1.000000000e+00  }
0x127: {  	s4 =	simm.s32 @!p0 $0x0  }
0x128: {  	s4 =	ssub.f32 s4, s3;
	_ =	sdelay $0x1  }
0x129: {  	s3 =	sadd.f32 s4, s3  }
0x12a: {  	s26 =	simm.s32 $0x21C  }
0x12b: {  	[smem:s26] =	sst s3  }
0x12c: {  	s3 =	sld [smem:$0x1D];
	_ =	sdelay $0x1  }
0x12d: {  	p0 =	seq.s32 s1, $0xD;
	s4 =	simm.f32 $1.000000000e+00  }
0x12e: {  	s4 =	simm.s32 @!p0 $0x0  }
0x12f: {  	s4 =	ssub.f32 s4, s3;
	_ =	sdelay $0x1  }
0x130: {  	s3 =	sadd.f32 s4, s3  }
0x131: {  	s28 =	simm.s32 $0x21D  }
0x132: {  	[smem:s28] =	sst s3  }
0x133: {  	s3 =	sld [smem:$0x1E];
	_ =	sdelay $0x1  }
0x134: {  	p0 =	seq.s32 s1, $0xE;
	s4 =	simm.f32 $1.000000000e+00  }
0x135: {  	s4 =	simm.s32 @!p0 $0x0  }
0x136: {  	s4 =	ssub.f32 s4, s3;
	_ =	sdelay $0x1  }
0x137: {  	s3 =	sadd.f32 s4, s3  }
0x138: {  	s29 =	simm.s32 $0x21E  }
0x139: {  	[smem:s29] =	sst s3  }
0x13a: {  	s3 =	sld [smem:$0x1F];
	_ =	sdelay $0x1  }
0x13b: {  	p0 =	seq.s32 s1, $0xF;
	s4 =	simm.f32 $1.000000000e+00  }
0x13c: {  	s4 =	simm.s32 @!p0 $0x0  }
0x13d: {  	s4 =	ssub.f32 s4, s3;
	_ =	sdelay $0x1  }
0x13e: {  	s3 =	sadd.f32 s4, s3  }
0x13f: {  	s30 =	simm.s32 $0x21F  }
0x140: {  	[smem:s30] =	sst s3  }
0x141: {  	s4 =	sld [smem:$0x20];
	_ =	sdelay $0x1  }
0x142: {  	p0 =	seq.s32 s1, $0x10;
	s3 =	simm.f32 $1.000000000e+00  }
0x143: {  	s3 =	simm.s32 @!p0 $0x0  }
0x144: {  	s31 =	ssub.f32 s3, s4  }
0x145: {  	s2 =	sadd.s32 $0x400, s2;
	s6 =	simm.s32 $0x220  }
0x146: {  	s1 =	srdreg.scid;
	s3 =	simm.s32 $0x44;
	s5 =	sadd.f32 s31, s4  }
.LBB1_1:
0x147: {  	p0 =	sne.s32 s3, $0x660  }
0x148: {  	s4 =	simm.s32 @!p0 $0x0  }
0x149: {  	s21 =	smov.u32 s3;
	[smem:s6] =	sst s5;
	s4 =	simm.s32 @p0 $0x1  }
0x14a: {  	[smem:$0x3F98] =	sst s4;
	s4 =	sshra.s32 s21, $0x2  }
0x14b: {  	s5 =	sld [smem:s4+$0x10]  }
0x14c: {  	s7 =	sld [smem:s4+$0x11];
	_ =	sdelay $0x2  }
0x14d: {  	s8 =	sld [smem:s4+$0x12]  }
0x14e: {  	p0 =	sgt.f32 s7, s5  }
0x14f: {  	s6 =	smov.u32 s5  }
0x150: {  	s6 =	smov.u32 @p0 s7  }
0x151: {  	p1 =	sgt.f32 s8, s6;
	_ =	sdelay $0x1  }
0x152: {  	s9 =	sld [smem:s4+$0x13];
	s7 =	simm.s32 @!p1 $0x0  }
0x153: {  	s7 =	simm.s32 @p1 $0x1  }
0x154: {  	[smem:$0x3F89] =	sst s7  }
0x155: {  	s6 =	smov.u32 @p1 s8;
	s7 =	sld [smem:s4+$0x14]  }
0x156: {  	p1 =	sgt.f32 s9, s6;
	_ =	sdelay $0x1  }
0x157: {  	s8 =	simm.s32 @!p1 $0x0;
	s6 =	smov.u32 @p1 s9  }
0x158: {  	s8 =	simm.s32 @p1 $0x1;
	p1 =	sgt.f32 s7, s6  }
0x159: {  	[smem:$0x3F8A] =	sst s8  }
0x15a: {  	s8 =	sld [smem:s4+$0x15];
	s9 =	simm.s32 @!p1 $0x0  }
0x15b: {  	s9 =	simm.s32 @p1 $0x1  }
0x15c: {  	[smem:$0x3F8B] =	sst s9  }
0x15d: {  	s6 =	smov.u32 @p1 s7;
	s9 =	sld [smem:s4+$0x16]  }
0x15e: {  	p1 =	sgt.f32 s8, s6;
	_ =	sdelay $0x1  }
0x15f: {  	s7 =	simm.s32 @!p1 $0x0;
	s6 =	smov.u32 @p1 s8  }
0x160: {  	s7 =	simm.s32 @p1 $0x1;
	p1 =	sgt.f32 s9, s6  }
0x161: {  	[smem:$0x3F8C] =	sst s7  }
0x162: {  	s7 =	sld [smem:s4+$0x17];
	s8 =	simm.s32 @!p1 $0x0  }
0x163: {  	s8 =	simm.s32 @p1 $0x1  }
0x164: {  	[smem:$0x3F8D] =	sst s8  }
0x165: {  	s6 =	smov.u32 @p1 s9;
	s8 =	sld [smem:s4+$0x18]  }
0x166: {  	p6 =	sgt.f32 s7, s6;
	_ =	sdelay $0x1  }
0x167: {  	s9 =	sld [smem:s4+$0x19];
	s6 =	smov.u32 @p6 s7  }
0x168: {  	p4 =	sgt.f32 s8, s6;
	_ =	sdelay $0x1  }
0x169: {  	s7 =	sld [smem:s4+$0x1A];
	s6 =	smov.u32 @p4 s8  }
0x16a: {  	s10 =	sld [smem:s4+$0x1D];
	p3 =	sgt.f32 s9, s6  }
0x16b: {  	s11 =	sld [smem:$0x3F89]  }
0x16c: {  	s8 =	sld [smem:s4+$0x1B];
	s6 =	smov.u32 @p3 s9  }
0x16d: {  	s22 =	sld [smem:$0x3F8A];
	p2 =	sgt.f32 s7, s6  }
0x16e: {  	s23 =	sld [smem:$0x3F8B]  }
0x16f: {  	s9 =	sld [smem:s4+$0x1C];
	s6 =	smov.u32 @p2 s7  }
0x170: {  	s24 =	sld [smem:$0x3F8C];
	s7 =	simm.s32 $0x1;
	p1 =	sgt.f32 s8, s6  }
0x171: {  	s25 =	sld [smem:$0x3F8D];
	s7 =	simm.s32 @!p0 $0x0;
	p0 =	seq.s32 s11, $0x1  }
0x172: {  	s7 =	simm.s32 @p0 $0x2;
	p0 =	seq.s32 s22, $0x1;
	s6 =	smov.u32 @p1 s8  }
0x173: {  	p5 =	seq.s32 s23, $0x1;
	s7 =	simm.s32 @p0 $0x3;
	p0 =	sgt.f32 s9, s6  }
0x174: {  	s8 =	sld [smem:s4+$0x1E];
	s7 =	simm.s32 @p5 $0x4;
	p5 =	seq.s32 s24, $0x1  }
0x175: {  	s7 =	simm.s32 @p5 $0x5;
	p5 =	seq.s32 s25, $0x1;
	s6 =	smov.u32 @p0 s9  }
0x176: {  	s7 =	simm.s32 @p5 $0x6;
	p5 =	sgt.f32 s10, s6  }
0x177: {  	s7 =	simm.s32 @p6 $0x7  }
0x178: {  	s9 =	sld [smem:s4+$0x1F];
	s7 =	simm.s32 @p4 $0x8;
	s6 =	smov.u32 @p5 s10  }
0x179: {  	s7 =	simm.s32 @p3 $0x9;
	p3 =	sgt.f32 s8, s6  }
0x17a: {  	s7 =	simm.s32 @p2 $0xA  }
0x17b: {  	s26 =	sld [smem:s4+$0x20];
	s7 =	simm.s32 @p1 $0xB;
	s6 =	smov.u32 @p3 s8  }
0x17c: {  	s7 =	simm.s32 @p0 $0xC;
	p0 =	sgt.f32 s9, s6  }
0x17d: {  	s7 =	simm.s32 @p5 $0xD  }
0x17e: {  	s7 =	simm.s32 @p3 $0xE;
	s6 =	smov.u32 @p0 s9  }
0x17f: {  	s7 =	simm.s32 @p0 $0xF;
	p0 =	sgt.f32 s26, s6;
	_ =	sdelay $0x1  }
0x180: {  	s7 =	simm.s32 @p0 $0x10  }
0x181: {  	p6 =	seq.s32 s7, $0x7  }
0x182: {  	s8 =	simm.s32 @!p6 $0x0  }
0x183: {  	s8 =	simm.s32 @p6 $0x1;
	p6 =	seq.s32 s7, $0x8  }
0x184: {  	[smem:$0x3F8E] =	sst s8;
	s8 =	simm.s32 @!p6 $0x0  }
0x185: {  	s8 =	simm.s32 @p6 $0x1;
	p6 =	seq.s32 s7, $0x9  }
0x186: {  	[smem:$0x3F8F] =	sst s8;
	s8 =	simm.s32 @!p6 $0x0  }
0x187: {  	s8 =	simm.s32 @p6 $0x1;
	p6 =	seq.s32 s7, $0xA  }
0x188: {  	s6 =	simm.f32 $1.000000000e+00;
	[smem:$0x3F90] =	sst s8;
	s8 =	simm.s32 @!p6 $0x0  }
0x189: {  	p2 =	seq.s32 s7, $0x0;
	s8 =	simm.s32 @p6 $0x1;
	p6 =	seq.s32 s7, $0xB  }
0x18a: {  	s6 =	simm.s32 @!p2 $0x0;
	[smem:$0x3F91] =	sst s8;
	s8 =	simm.s32 @!p6 $0x0  }
0x18b: {  	s6 =	ssub.f32 s6, s5;
	s8 =	simm.s32 @p6 $0x1;
	p6 =	seq.s32 s7, $0xC  }
0x18c: {  	[smem:$0x3F92] =	sst s8;
	s8 =	simm.s32 @!p6 $0x0  }
0x18d: {  	s5 =	sadd.f32 s6, s5;
	s8 =	simm.s32 @p6 $0x1;
	p6 =	seq.s32 s7, $0xD  }
0x18e: {  	[smem:$0x3F93] =	sst s8;
	s8 =	simm.s32 @!p6 $0x0  }
0x18f: {  	s28 =	sadd.s32 $0x210, s4;
	s8 =	simm.s32 @p6 $0x1;
	p6 =	seq.s32 s7, $0xE  }
0x190: {  	[smem:s28] =	sst s5;
	s5 =	simm.s32 @!p6 $0x0  }
0x191: {  	s5 =	simm.s32 @p6 $0x1;
	p6 =	seq.s32 s7, $0xF  }
0x192: {  	[smem:$0x3F95] =	sst s5;
	s5 =	simm.s32 @!p6 $0x0  }
0x193: {  	s5 =	simm.s32 @p6 $0x1;
	p6 =	seq.s32 s7, $0x10  }
0x194: {  	s29 =	sld [smem:s4+$0x11];
	s6 =	simm.s32 @!p6 $0x0  }
0x195: {  	s6 =	simm.s32 @p6 $0x1  }
0x196: {  	p0 =	seq.s32 s7, $0x1;
	[smem:$0x3F97] =	sst s6;
	s6 =	simm.f32 $1.000000000e+00  }
0x197: {  	s6 =	simm.s32 @!p0 $0x0  }
0x198: {  	s6 =	ssub.f32 s6, s29  }
0x199: {  	[smem:$0x3F96] =	sst s5  }
0x19a: {  	s5 =	sadd.f32 s6, s29  }
0x19b: {  	s30 =	sadd.s32 $0x211, s4  }
0x19c: {  	[smem:s30] =	sst s5  }
0x19d: {  	s5 =	sld [smem:s4+$0x12];
	_ =	sdelay $0x1  }
0x19e: {  	p1 =	seq.s32 s7, $0x2;
	s6 =	simm.f32 $1.000000000e+00  }
0x19f: {  	s6 =	simm.s32 @!p1 $0x0  }
0x1a0: {  	s6 =	ssub.f32 s6, s5;
	_ =	sdelay $0x1  }
0x1a1: {  	s5 =	sadd.f32 s6, s5  }
0x1a2: {  	s31 =	sadd.s32 $0x212, s4  }
0x1a3: {  	[smem:s31] =	sst s5  }
0x1a4: {  	s5 =	sld [smem:s4+$0x13];
	_ =	sdelay $0x1  }
0x1a5: {  	p2 =	seq.s32 s7, $0x3;
	s6 =	simm.f32 $1.000000000e+00  }
0x1a6: {  	s6 =	simm.s32 @!p2 $0x0  }
0x1a7: {  	s6 =	ssub.f32 s6, s5;
	_ =	sdelay $0x1  }
0x1a8: {  	p3 =	seq.s32 s7, $0x4;
	s5 =	sadd.f32 s6, s5  }
0x1a9: {  	p4 =	seq.s32 s7, $0x5;
	p5 =	seq.s32 s7, $0x6;
	s7 =	sadd.s32 $0x213, s4  }
0x1aa: {  	[smem:s7] =	sst s5  }
0x1ab: {  	s5 =	sld [smem:s4+$0x14];
	_ =	sdelay $0x1  }
0x1ac: {  	s6 =	simm.f32 $1.000000000e+00  }
0x1ad: {  	s6 =	simm.s32 @!p3 $0x0  }
0x1ae: {  	s6 =	ssub.f32 s6, s5;
	_ =	sdelay $0x1  }
0x1af: {  	s5 =	sadd.f32 s6, s5  }
0x1b0: {  	[smem:$0x3F94] =	sst s8;
	s8 =	sadd.s32 $0x214, s4  }
0x1b1: {  	[smem:s8] =	sst s5  }
0x1b2: {  	s5 =	sld [smem:s4+$0x15];
	_ =	sdelay $0x1  }
0x1b3: {  	s6 =	simm.f32 $1.000000000e+00  }
0x1b4: {  	s6 =	simm.s32 @!p4 $0x0  }
0x1b5: {  	s6 =	ssub.f32 s6, s5;
	_ =	sdelay $0x1  }
0x1b6: {  	s5 =	sadd.f32 s6, s5  }
0x1b7: {  	s9 =	sadd.s32 $0x215, s4  }
0x1b8: {  	[smem:s9] =	sst s5  }
0x1b9: {  	s5 =	sld [smem:s4+$0x16];
	_ =	sdelay $0x1  }
0x1ba: {  	s6 =	simm.f32 $1.000000000e+00  }
0x1bb: {  	s6 =	simm.s32 @!p5 $0x0  }
0x1bc: {  	s6 =	ssub.f32 s6, s5;
	_ =	sdelay $0x1  }
0x1bd: {  	s5 =	sadd.f32 s6, s5  }
0x1be: {  	s10 =	sadd.s32 $0x216, s4;
	s11 =	sld [smem:$0x3F8E]  }
0x1bf: {  	[smem:s10] =	sst s5  }
0x1c0: {  	s5 =	sld [smem:s4+$0x17];
	_ =	sdelay $0x1  }
0x1c1: {  	p0 =	seq.s32 s11, $0x1;
	s6 =	simm.f32 $1.000000000e+00  }
0x1c2: {  	s6 =	simm.s32 @!p0 $0x0  }
0x1c3: {  	s6 =	ssub.f32 s6, s5;
	_ =	sdelay $0x1  }
0x1c4: {  	s5 =	sadd.f32 s6, s5  }
0x1c5: {  	s12 =	sadd.s32 $0x217, s4;
	s13 =	sld [smem:$0x3F8F]  }
0x1c6: {  	[smem:s12] =	sst s5  }
0x1c7: {  	s5 =	sld [smem:s4+$0x18];
	_ =	sdelay $0x1  }
0x1c8: {  	p0 =	seq.s32 s13, $0x1;
	s6 =	simm.f32 $1.000000000e+00  }
0x1c9: {  	s6 =	simm.s32 @!p0 $0x0  }
0x1ca: {  	s6 =	ssub.f32 s6, s5;
	_ =	sdelay $0x1  }
0x1cb: {  	s5 =	sadd.f32 s6, s5  }
0x1cc: {  	s14 =	sadd.s32 $0x218, s4;
	s15 =	sld [smem:$0x3F90]  }
0x1cd: {  	[smem:s14] =	sst s5  }
0x1ce: {  	s5 =	sld [smem:s4+$0x19];
	_ =	sdelay $0x1  }
0x1cf: {  	p0 =	seq.s32 s15, $0x1;
	s6 =	simm.f32 $1.000000000e+00  }
0x1d0: {  	s6 =	simm.s32 @!p0 $0x0  }
0x1d1: {  	s6 =	ssub.f32 s6, s5;
	_ =	sdelay $0x1  }
0x1d2: {  	s5 =	sadd.f32 s6, s5  }
0x1d3: {  	s16 =	sadd.s32 $0x219, s4;
	s17 =	sld [smem:$0x3F91]  }
0x1d4: {  	[smem:s16] =	sst s5  }
0x1d5: {  	s5 =	sld [smem:s4+$0x1A];
	_ =	sdelay $0x1  }
0x1d6: {  	p0 =	seq.s32 s17, $0x1;
	s6 =	simm.f32 $1.000000000e+00  }
0x1d7: {  	s6 =	simm.s32 @!p0 $0x0  }
0x1d8: {  	s6 =	ssub.f32 s6, s5;
	_ =	sdelay $0x1  }
0x1d9: {  	s5 =	sadd.f32 s6, s5  }
0x1da: {  	s18 =	sadd.s32 $0x21A, s4;
	s19 =	sld [smem:$0x3F92]  }
0x1db: {  	[smem:s18] =	sst s5  }
0x1dc: {  	s5 =	sld [smem:s4+$0x1B];
	_ =	sdelay $0x1  }
0x1dd: {  	p0 =	seq.s32 s19, $0x1;
	s6 =	simm.f32 $1.000000000e+00  }
0x1de: {  	s6 =	simm.s32 @!p0 $0x0  }
0x1df: {  	s6 =	ssub.f32 s6, s5;
	_ =	sdelay $0x1  }
0x1e0: {  	s5 =	sadd.f32 s6, s5  }
0x1e1: {  	s20 =	sadd.s32 $0x21B, s4;
	s21 =	sld [smem:$0x3F93]  }
0x1e2: {  	[smem:s20] =	sst s5  }
0x1e3: {  	s5 =	sld [smem:s4+$0x1C];
	_ =	sdelay $0x1  }
0x1e4: {  	p0 =	seq.s32 s21, $0x1;
	s6 =	simm.f32 $1.000000000e+00  }
0x1e5: {  	s6 =	simm.s32 @!p0 $0x0  }
0x1e6: {  	s6 =	ssub.f32 s6, s5;
	_ =	sdelay $0x1  }
0x1e7: {  	s5 =	sadd.f32 s6, s5  }
0x1e8: {  	s22 =	sadd.s32 $0x21C, s4;
	s23 =	sld [smem:$0x3F94]  }
0x1e9: {  	[smem:s22] =	sst s5  }
0x1ea: {  	s5 =	sld [smem:s4+$0x1D];
	_ =	sdelay $0x1  }
0x1eb: {  	p0 =	seq.s32 s23, $0x1;
	s6 =	simm.f32 $1.000000000e+00  }
0x1ec: {  	s6 =	simm.s32 @!p0 $0x0  }
0x1ed: {  	s6 =	ssub.f32 s6, s5;
	_ =	sdelay $0x1  }
0x1ee: {  	s5 =	sadd.f32 s6, s5  }
0x1ef: {  	s24 =	sadd.s32 $0x21D, s4;
	s25 =	sld [smem:$0x3F95]  }
0x1f0: {  	[smem:s24] =	sst s5  }
0x1f1: {  	s5 =	sld [smem:s4+$0x1E];
	_ =	sdelay $0x1  }
0x1f2: {  	p0 =	seq.s32 s25, $0x1;
	s6 =	simm.f32 $1.000000000e+00  }
0x1f3: {  	s6 =	simm.s32 @!p0 $0x0  }
0x1f4: {  	s6 =	ssub.f32 s6, s5;
	_ =	sdelay $0x1  }
0x1f5: {  	s5 =	sadd.f32 s6, s5  }
0x1f6: {  	s26 =	sadd.s32 $0x21E, s4;
	s28 =	sld [smem:$0x3F96]  }
0x1f7: {  	[smem:s26] =	sst s5  }
0x1f8: {  	s5 =	sld [smem:s4+$0x1F];
	_ =	sdelay $0x1  }
0x1f9: {  	p0 =	seq.s32 s28, $0x1;
	s6 =	simm.f32 $1.000000000e+00  }
0x1fa: {  	s6 =	simm.s32 @!p0 $0x0  }
0x1fb: {  	s6 =	ssub.f32 s6, s5  }
0x1fc: {  	s30 =	sld [smem:$0x3F97]  }
0x1fd: {  	s5 =	sadd.f32 s6, s5  }
0x1fe: {  	s29 =	sadd.s32 $0x21F, s4;
	s31 =	sld [smem:$0x3F98]  }
0x1ff: {  	[smem:s29] =	sst s5  }
0x200: {  	s5 =	sld [smem:s4+$0x20]  }
0x201: {  	p0 =	seq.s32 s30, $0x1;
	s6 =	simm.f32 $1.000000000e+00  }
0x202: {  	s6 =	simm.s32 @!p0 $0x0;
	p0 =	seq.s32 s31, $0x1  }
.Ltmp0:
0x203: {  	_ = 	snop;
	(pc) =	sbr.rel @p0 .LBB1_1-.Ltmp0, $2  }
0x204: {  	s6 =	ssub.f32 s6, s5;
	_ =	sdelay $0x1  }
0x205: {  	s3 =	sadd.s32 $0x44, s3;
	s5 =	sadd.f32 s6, s5;
	s6 =	sadd.s32 $0x220, s4  }
0x206: {  	_ = 	snop  }
0x207: {  	s3 =	simm.s32 $0x210;
	s26 =	simm.s32 $0x9;
	[smem:s6] =	sst s5  }
0x208: {  	[hbm:s2], [sflag:s0] =	dma.local [smem:s3], $0x40  }
0x209: {  	_ =	swait.ge [sflag:s26], $0x40  }
0x20a: {  	[sflag:s26] =	ssyncset.done $0x0  }
0x20b: {  	[sflag:s26] =	ssyncadd.s32 $0xFFFFFFC0  }
0x20c: {  	_ =	strace $0x90000046  }
0x20d: {  	_ =	sfence  }
0x20e: {  	s28 =	sld [smem:$0x0];
	_ =	sdelay $0x2  }
0x20f: {  	s29 =	sshll.u32 s1, $0xD;
	s30 =	sshrl.u32 s1, $0x2  }
0x210: {  	s31 =	sand.u32 $0x1, s1;
	s2 =	sand.u32 $0x4000, s29;
	s0 =	sadd.s32 s30, s28  }
0x211: {  	s1 =	sor.u32 s2, s31;
	s0 =	sshll.u32 s0, $0x11  }
0x212: {  	s0 =	sor.u32 s0, s1  }
0x213: {  	s0 =	sadd.s32 $0x8F2B, s0;
	(pc) =	sbr.abs _section_cstart, $3  }
0x214: {  	[sflag:s0] =	ssyncadd.remote.s32 $0x1  }
0x215: {  	_ =	strace $0x9FFFFFFF  }
0x216: {  	(tm) =	ssettm $0x7FFFFFFF  }
0x217: {  	_ =	shalt  }

</sc_bundles>
